<compile_context>
chip_gen: v7x
topology: tpu7x:2x2x1
jax: 0.10.2.dev20260603
libtpu: 0.0.44.dev20260713+nightly
codegen_flags: <defaults>
</compile_context>

<pallas_src>
import jax
import jax.numpy as jnp
from jax import lax
from jax.experimental import pallas as pl
from jax.experimental.pallas import tpu as pltpu
from jax.experimental.pallas import tpu_sc as plsc

_B, _S, _D = 4, 4096, 2048
_NC, _NS, _L = 1, 16, 16
_NW = _NC * _NS
_CHUNKS = _NW // _B
_CD = _D // _CHUNKS


def _pool_body(inputs_hbm, mask_hbm, out_hbm, mask_v):
    wid = lax.axis_index("s") * _NC + lax.axis_index("c")
    b = wid // _CHUNKS
    c = wid % _CHUNKS

    pltpu.sync_copy(mask_hbm.at[b], mask_v)

    def step(i, acc):
        return acc + mask_v[pl.ds(i * _L, _L)]

    acc = lax.fori_loop(0, _S // _L, step, jnp.zeros((_L,), jnp.int32),
                        unroll=8)
    count = acc[0]
    for i in range(1, _L):
        count = count + acc[i]
    pos = jnp.clip(count - 1, 0, _S - 1)

    col = c * _CD
    pltpu.sync_copy(inputs_hbm.at[b, pos, pl.ds(col, _CD)],
                    out_hbm.at[b, pl.ds(col, _CD)])


@jax.jit
def kernel(inputs, padding_mask):
    f = pl.kernel(
        _pool_body,
        mesh=plsc.VectorSubcoreMesh(core_axis_name="c", subcore_axis_name="s",
                                    num_cores=_NC),
        out_type=jax.ShapeDtypeStruct((_B, _D), jnp.float32),
        scratch_types=[
            pltpu.VMEM((_S,), jnp.int32),
        ],
    )
    return f(inputs, padding_mask)

# --- scband reference (transcript-rebuilt; emitter-appended) ---
"""Pipeline reference for scband-last-token-pooler-43576738185216 (READ-ONLY COPY).

The authoritative reference and input builder live on the scoring server;
editing this copy changes nothing except your own understanding.
"""

import jax, jax.numpy as jnp
import numpy as np


def setup_inputs(seed: int = 0) -> dict:
    key = jax.random.key(seed)
    k1, _ = jax.random.split(key)
    inputs = jax.random.normal(k1, (4, 4096, 2048), dtype=jnp.float32)
    padding_mask = jnp.ones((4, 4096), dtype=jnp.int32)
    return {"inputs": inputs, "padding_mask": padding_mask}


def reference(inputs, padding_mask):
    # end position = (number of valid tokens) - 1
    end_positions = jnp.sum(padding_mask, axis=1, keepdims=True) - 1  # [B, 1]
    end_positions = end_positions.astype(jnp.int32)[:, :, None]       # [B, 1, 1]
    outputs = jnp.take_along_axis(inputs, end_positions, axis=1)      # [B, 1, D]
    return jnp.squeeze(outputs, axis=1)                               # [B, D]

if __name__ == "__main__":
    import jax
    _d = setup_inputs()
    print(jax.jit(kernel)(*tuple(_d.values())))

</pallas_src>

<mosaic_0001>
#map = affine_map<(d0, d1) -> (0, 0, 0)>
#map1 = affine_map<(d0, d1) -> (0, 0)>
module attributes {stable_mosaic.version = 14 : i64} {
  func.func @_pool_body(%arg0: i32, %arg1: i32, %arg2: memref<4x4096x2048xf32, #tpu.memory_space<hbm>>, %arg3: memref<4x4096xi32, #tpu.memory_space<hbm>>, %arg4: memref<4x2048xf32, #tpu.memory_space<hbm>>, %arg5: memref<4096xi32, #tpu.memory_space<vmem>>) attributes {dimension_semantics = [#tpu.dimension_semantics<core_parallel>, #tpu.dimension_semantics<subcore_parallel>], iteration_bounds = array<i64: 1, 16>, scalar_prefetch = 0 : i64, scratch_operands = 1 : i64, tpu.core_type = #tpu.core_type<sc_vector_subcore>, window_params = [{transform_indices = #map}, {transform_indices = #map1}, {transform_indices = #map1}]} {
    %mul3A = arith.constant 1 : i32
    %mul3A_0 = arith.muli %arg1, %mul3A : i32
    %add3A = arith.addi %mul3A_0, %arg0 : i32
    %jit3A = arith.constant 4 : i32
    %div3A = arith.divsi %add3A, %jit3A : i32
    %sign3A = arith.constant 0 : i32
    %sign3A_1 = arith.cmpi sgt, %add3A, %sign3A : i32
    %sign3A_2 = arith.extui %sign3A_1 : i1 to i32
    %sign3A_3 = arith.constant 0 : i32
    %sign3A_4 = arith.cmpi slt, %add3A, %sign3A_3 : i32
    %sign3A_5 = arith.extui %sign3A_4 : i1 to i32
    %sign3A_6 = arith.subi %sign3A_2, %sign3A_5 : i32
    %sign3A_7 = arith.constant 0 : i32
    %sign3A_8 = arith.cmpi sgt, %jit3A, %sign3A_7 : i32
    %sign3A_9 = arith.extui %sign3A_8 : i1 to i32
    %sign3A_10 = arith.constant 0 : i32
    %sign3A_11 = arith.cmpi slt, %jit3A, %sign3A_10 : i32
    %sign3A_12 = arith.extui %sign3A_11 : i1 to i32
    %sign3A_13 = arith.subi %sign3A_9, %sign3A_12 : i32
    %ne3A = arith.cmpi ne, %sign3A_6, %sign3A_13 : i32
    %rem3A = arith.remsi %add3A, %jit3A : i32
    %ne3A_14 = arith.constant 0 : i32
    %ne3A_15 = arith.cmpi ne, %rem3A, %ne3A_14 : i32
    %and3A = arith.andi %ne3A, %ne3A_15 : i1
    %sub3A = arith.constant 1 : i32
    %sub3A_16 = arith.subi %div3A, %sub3A : i32
    %select_n3A = arith.select %and3A, %sub3A_16, %div3A : i32
    %jit3A_17 = arith.constant 4 : i32
    %eq3A = arith.constant 0 : i32
    %eq3A_18 = arith.cmpi eq, %jit3A_17, %eq3A : i32
    %jit3A_19 = arith.constant 1 : i32
    %select_n3A_20 = arith.select %eq3A_18, %jit3A_19, %jit3A_17 : i32
    %rem3A_21 = arith.remsi %add3A, %select_n3A_20 : i32
    %ne3A_22 = arith.constant 0 : i32
    %ne3A_23 = arith.cmpi ne, %rem3A_21, %ne3A_22 : i32
    %lt3A = arith.constant 0 : i32
    %lt3A_24 = arith.cmpi slt, %rem3A_21, %lt3A : i32
    %lt3A_25 = arith.constant 0 : i32
    %lt3A_26 = arith.cmpi slt, %select_n3A_20, %lt3A_25 : i32
    %ne3A_27 = arith.xori %lt3A_24, %lt3A_26 : i1
    %and3A_28 = arith.andi %ne3A_27, %ne3A_23 : i1
    %add3A_29 = arith.addi %rem3A_21, %select_n3A_20 : i32
    %select_n3A_30 = arith.select %and3A_28, %add3A_29, %rem3A_21 : i32
    "tpu.region"() ({
      %run_scoped3A = tpu.sem_alloc : memref<!tpu.dma_semaphore, #tpu.memory_space<semaphore_mem>>
      %dma_start3A = arith.constant 0 : i32
      %dma_start3A_88 = tpu.memref_slice %arg3[%select_n3A, %dma_start3A] : memref<4x4096xi32, #tpu.memory_space<hbm>> -> memref<1x4096xi32, #tpu.memory_space<hbm>>
      %dma_start3A_89 = tpu.memref_squeeze %dma_start3A_88 : memref<1x4096xi32, #tpu.memory_space<hbm>> -> memref<4096xi32, #tpu.memory_space<hbm>>
      %dma_start3A_90 = arith.constant 0 : i32
      %dma_start3A_91 = tpu.memref_slice %arg3[%select_n3A, %dma_start3A_90] : memref<4x4096xi32, #tpu.memory_space<hbm>> -> memref<1x4096xi32, #tpu.memory_space<hbm>>
      %dma_start3A_92 = tpu.memref_squeeze %dma_start3A_91 : memref<1x4096xi32, #tpu.memory_space<hbm>> -> memref<4096xi32, #tpu.memory_space<hbm>>
      tpu.enqueue_dma source(%dma_start3A_92 : memref<4096xi32, #tpu.memory_space<hbm>>) target(%arg5 : memref<4096xi32, #tpu.memory_space<vmem>>) target_semaphore(%run_scoped3A : memref<!tpu.dma_semaphore, #tpu.memory_space<semaphore_mem>>)
      %dma_wait3A = arith.constant 0 : i32
      %dma_wait3A_93 = tpu.memref_slice %arg3[%select_n3A, %dma_wait3A] : memref<4x4096xi32, #tpu.memory_space<hbm>> -> memref<1x4096xi32, #tpu.memory_space<hbm>>
      %dma_wait3A_94 = tpu.memref_squeeze %dma_wait3A_93 : memref<1x4096xi32, #tpu.memory_space<hbm>> -> memref<4096xi32, #tpu.memory_space<hbm>>
      %dma_wait3A_95 = arith.constant 0 : i32
      %dma_wait3A_96 = tpu.memref_slice %arg3[%select_n3A, %dma_wait3A_95] : memref<4x4096xi32, #tpu.memory_space<hbm>> -> memref<1x4096xi32, #tpu.memory_space<hbm>>
      %dma_wait3A_97 = tpu.memref_squeeze %dma_wait3A_96 : memref<1x4096xi32, #tpu.memory_space<hbm>> -> memref<4096xi32, #tpu.memory_space<hbm>>
      tpu.wait_dma2 semaphore(%run_scoped3A : memref<!tpu.dma_semaphore, #tpu.memory_space<semaphore_mem>>) src(%dma_wait3A_97 : memref<4096xi32, #tpu.memory_space<hbm>>) dst(%arg5 : memref<4096xi32, #tpu.memory_space<vmem>>)
      tpu.yield
    }) : () -> ()
    %broadcast_in_dim3A = arith.constant 0 : i32
    %broadcast_in_dim3A_31 = vector.broadcast %broadcast_in_dim3A : i32 to vector<16xi32>
    %scan3A = arith.constant 0 : i32
    %scan3A_32 = arith.constant 256 : i32
    %scan3A_33 = arith.addi %scan3A, %scan3A_32 : i32
    %scan3A_34 = arith.constant 8 : i32
    %scan3A_35 = scf.for %scan3A_88 = %scan3A to %scan3A_33 step %scan3A_34 iter_args(%scan3A_89 = %broadcast_in_dim3A_31) -> (vector<16xi32>)  : i32 {
      %mul3A_90 = arith.constant 16 : i32
      %mul3A_91 = arith.muli %scan3A_88, %mul3A_90 : i32
      %get3A = arith.index_cast %mul3A_91 : i32 to index
      %get3A_92 = tpu.vector_load %arg5[%get3A] {strides = array<i32>} : memref<4096xi32, #tpu.memory_space<vmem>>, vector<16xi32>,
      %get3A_93 = vector.shape_cast %get3A_92 : vector<16xi32> to vector<16xi32>
      %add3A_94 = arith.addi %scan3A_89, %get3A_93 : vector<16xi32>
      %scan3A_95 = arith.constant 1 : i32
      %scan3A_96 = arith.addi %scan3A_88, %scan3A_95 : i32
      %mul3A_97 = arith.constant 16 : i32
      %mul3A_98 = arith.muli %scan3A_96, %mul3A_97 : i32
      %get3A_99 = arith.index_cast %mul3A_98 : i32 to index
      %get3A_100 = tpu.vector_load %arg5[%get3A_99] {strides = array<i32>} : memref<4096xi32, #tpu.memory_space<vmem>>, vector<16xi32>,
      %get3A_101 = vector.shape_cast %get3A_100 : vector<16xi32> to vector<16xi32>
      %add3A_102 = arith.addi %add3A_94, %get3A_101 : vector<16xi32>
      %scan3A_103 = arith.constant 2 : i32
      %scan3A_104 = arith.addi %scan3A_88, %scan3A_103 : i32
      %mul3A_105 = arith.constant 16 : i32
      %mul3A_106 = arith.muli %scan3A_104, %mul3A_105 : i32
      %get3A_107 = arith.index_cast %mul3A_106 : i32 to index
      %get3A_108 = tpu.vector_load %arg5[%get3A_107] {strides = array<i32>} : memref<4096xi32, #tpu.memory_space<vmem>>, vector<16xi32>,
      %get3A_109 = vector.shape_cast %get3A_108 : vector<16xi32> to vector<16xi32>
      %add3A_110 = arith.addi %add3A_102, %get3A_109 : vector<16xi32>
      %scan3A_111 = arith.constant 3 : i32
      %scan3A_112 = arith.addi %scan3A_88, %scan3A_111 : i32
      %mul3A_113 = arith.constant 16 : i32
      %mul3A_114 = arith.muli %scan3A_112, %mul3A_113 : i32
      %get3A_115 = arith.index_cast %mul3A_114 : i32 to index
      %get3A_116 = tpu.vector_load %arg5[%get3A_115] {strides = array<i32>} : memref<4096xi32, #tpu.memory_space<vmem>>, vector<16xi32>,
      %get3A_117 = vector.shape_cast %get3A_116 : vector<16xi32> to vector<16xi32>
      %add3A_118 = arith.addi %add3A_110, %get3A_117 : vector<16xi32>
      %scan3A_119 = arith.constant 4 : i32
      %scan3A_120 = arith.addi %scan3A_88, %scan3A_119 : i32
      %mul3A_121 = arith.constant 16 : i32
      %mul3A_122 = arith.muli %scan3A_120, %mul3A_121 : i32
      %get3A_123 = arith.index_cast %mul3A_122 : i32 to index
      %get3A_124 = tpu.vector_load %arg5[%get3A_123] {strides = array<i32>} : memref<4096xi32, #tpu.memory_space<vmem>>, vector<16xi32>,
      %get3A_125 = vector.shape_cast %get3A_124 : vector<16xi32> to vector<16xi32>
      %add3A_126 = arith.addi %add3A_118, %get3A_125 : vector<16xi32>
      %scan3A_127 = arith.constant 5 : i32
      %scan3A_128 = arith.addi %scan3A_88, %scan3A_127 : i32
      %mul3A_129 = arith.constant 16 : i32
      %mul3A_130 = arith.muli %scan3A_128, %mul3A_129 : i32
      %get3A_131 = arith.index_cast %mul3A_130 : i32 to index
      %get3A_132 = tpu.vector_load %arg5[%get3A_131] {strides = array<i32>} : memref<4096xi32, #tpu.memory_space<vmem>>, vector<16xi32>,
      %get3A_133 = vector.shape_cast %get3A_132 : vector<16xi32> to vector<16xi32>
      %add3A_134 = arith.addi %add3A_126, %get3A_133 : vector<16xi32>
      %scan3A_135 = arith.constant 6 : i32
      %scan3A_136 = arith.addi %scan3A_88, %scan3A_135 : i32
      %mul3A_137 = arith.constant 16 : i32
      %mul3A_138 = arith.muli %scan3A_136, %mul3A_137 : i32
      %get3A_139 = arith.index_cast %mul3A_138 : i32 to index
      %get3A_140 = tpu.vector_load %arg5[%get3A_139] {strides = array<i32>} : memref<4096xi32, #tpu.memory_space<vmem>>, vector<16xi32>,
      %get3A_141 = vector.shape_cast %get3A_140 : vector<16xi32> to vector<16xi32>
      %add3A_142 = arith.addi %add3A_134, %get3A_141 : vector<16xi32>
      %scan3A_143 = arith.constant 7 : i32
      %scan3A_144 = arith.addi %scan3A_88, %scan3A_143 : i32
      %mul3A_145 = arith.constant 16 : i32
      %mul3A_146 = arith.muli %scan3A_144, %mul3A_145 : i32
      %get3A_147 = arith.index_cast %mul3A_146 : i32 to index
      %get3A_148 = tpu.vector_load %arg5[%get3A_147] {strides = array<i32>} : memref<4096xi32, #tpu.memory_space<vmem>>, vector<16xi32>,
      %get3A_149 = vector.shape_cast %get3A_148 : vector<16xi32> to vector<16xi32>
      %add3A_150 = arith.addi %add3A_142, %get3A_149 : vector<16xi32>
      scf.yield %add3A_150 : vector<16xi32>
    }
    %scan3A_36 = arith.constant 256 : i32
    %slice3A = vector.extract_strided_slice %scan3A_35 {offsets = [0], sizes = [1], strides = [1]} : vector<16xi32> to vector<1xi32>
    %squeeze3A = vector.extract %slice3A[0] : i32 from vector<1xi32>
    %slice3A_37 = vector.extract_strided_slice %scan3A_35 {offsets = [1], sizes = [1], strides = [1]} : vector<16xi32> to vector<1xi32>
    %squeeze3A_38 = vector.extract %slice3A_37[0] : i32 from vector<1xi32>
    %add3A_39 = arith.addi %squeeze3A, %squeeze3A_38 : i32
    %slice3A_40 = vector.extract_strided_slice %scan3A_35 {offsets = [2], sizes = [1], strides = [1]} : vector<16xi32> to vector<1xi32>
    %squeeze3A_41 = vector.extract %slice3A_40[0] : i32 from vector<1xi32>
    %add3A_42 = arith.addi %add3A_39, %squeeze3A_41 : i32
    %slice3A_43 = vector.extract_strided_slice %scan3A_35 {offsets = [3], sizes = [1], strides = [1]} : vector<16xi32> to vector<1xi32>
    %squeeze3A_44 = vector.extract %slice3A_43[0] : i32 from vector<1xi32>
    %add3A_45 = arith.addi %add3A_42, %squeeze3A_44 : i32
    %slice3A_46 = vector.extract_strided_slice %scan3A_35 {offsets = [4], sizes = [1], strides = [1]} : vector<16xi32> to vector<1xi32>
    %squeeze3A_47 = vector.extract %slice3A_46[0] : i32 from vector<1xi32>
    %add3A_48 = arith.addi %add3A_45, %squeeze3A_47 : i32
    %slice3A_49 = vector.extract_strided_slice %scan3A_35 {offsets = [5], sizes = [1], strides = [1]} : vector<16xi32> to vector<1xi32>
    %squeeze3A_50 = vector.extract %slice3A_49[0] : i32 from vector<1xi32>
    %add3A_51 = arith.addi %add3A_48, %squeeze3A_50 : i32
    %slice3A_52 = vector.extract_strided_slice %scan3A_35 {offsets = [6], sizes = [1], strides = [1]} : vector<16xi32> to vector<1xi32>
    %squeeze3A_53 = vector.extract %slice3A_52[0] : i32 from vector<1xi32>
    %add3A_54 = arith.addi %add3A_51, %squeeze3A_53 : i32
    %slice3A_55 = vector.extract_strided_slice %scan3A_35 {offsets = [7], sizes = [1], strides = [1]} : vector<16xi32> to vector<1xi32>
    %squeeze3A_56 = vector.extract %slice3A_55[0] : i32 from vector<1xi32>
    %add3A_57 = arith.addi %add3A_54, %squeeze3A_56 : i32
    %slice3A_58 = vector.extract_strided_slice %scan3A_35 {offsets = [8], sizes = [1], strides = [1]} : vector<16xi32> to vector<1xi32>
    %squeeze3A_59 = vector.extract %slice3A_58[0] : i32 from vector<1xi32>
    %add3A_60 = arith.addi %add3A_57, %squeeze3A_59 : i32
    %slice3A_61 = vector.extract_strided_slice %scan3A_35 {offsets = [9], sizes = [1], strides = [1]} : vector<16xi32> to vector<1xi32>
    %squeeze3A_62 = vector.extract %slice3A_61[0] : i32 from vector<1xi32>
    %add3A_63 = arith.addi %add3A_60, %squeeze3A_62 : i32
    %slice3A_64 = vector.extract_strided_slice %scan3A_35 {offsets = [10], sizes = [1], strides = [1]} : vector<16xi32> to vector<1xi32>
    %squeeze3A_65 = vector.extract %slice3A_64[0] : i32 from vector<1xi32>
    %add3A_66 = arith.addi %add3A_63, %squeeze3A_65 : i32
    %slice3A_67 = vector.extract_strided_slice %scan3A_35 {offsets = [11], sizes = [1], strides = [1]} : vector<16xi32> to vector<1xi32>
    %squeeze3A_68 = vector.extract %slice3A_67[0] : i32 from vector<1xi32>
    %add3A_69 = arith.addi %add3A_66, %squeeze3A_68 : i32
    %slice3A_70 = vector.extract_strided_slice %scan3A_35 {offsets = [12], sizes = [1], strides = [1]} : vector<16xi32> to vector<1xi32>
    %squeeze3A_71 = vector.extract %slice3A_70[0] : i32 from vector<1xi32>
    %add3A_72 = arith.addi %add3A_69, %squeeze3A_71 : i32
    %slice3A_73 = vector.extract_strided_slice %scan3A_35 {offsets = [13], sizes = [1], strides = [1]} : vector<16xi32> to vector<1xi32>
    %squeeze3A_74 = vector.extract %slice3A_73[0] : i32 from vector<1xi32>
    %add3A_75 = arith.addi %add3A_72, %squeeze3A_74 : i32
    %slice3A_76 = vector.extract_strided_slice %scan3A_35 {offsets = [14], sizes = [1], strides = [1]} : vector<16xi32> to vector<1xi32>
    %squeeze3A_77 = vector.extract %slice3A_76[0] : i32 from vector<1xi32>
    %add3A_78 = arith.addi %add3A_75, %squeeze3A_77 : i32
    %slice3A_79 = vector.extract_strided_slice %scan3A_35 {offsets = [15], sizes = [1], strides = [1]} : vector<16xi32> to vector<1xi32>
    %squeeze3A_80 = vector.extract %slice3A_79[0] : i32 from vector<1xi32>
    %add3A_81 = arith.addi %add3A_78, %squeeze3A_80 : i32
    %sub3A_82 = arith.constant 1 : i32
    %sub3A_83 = arith.subi %add3A_81, %sub3A_82 : i32
    %jit3A_84 = arith.constant 0 : i32
    %jit3A_85 = arith.constant 4095 : i32
    %max3A = arith.maxsi %jit3A_84, %sub3A_83 : i32
    %min3A = arith.minsi %jit3A_85, %max3A : i32
    %mul3A_86 = arith.constant 512 : i32
    %mul3A_87 = arith.muli %select_n3A_30, %mul3A_86 : i32
    "tpu.region"() ({
      %run_scoped3A = tpu.sem_alloc : memref<!tpu.dma_semaphore, #tpu.memory_space<semaphore_mem>>
      %dma_start3A = tpu.memref_slice %arg4[%select_n3A, %mul3A_87] : memref<4x2048xf32, #tpu.memory_space<hbm>> -> memref<1x512xf32, #tpu.memory_space<hbm>>
      %dma_start3A_88 = tpu.memref_squeeze %dma_start3A : memref<1x512xf32, #tpu.memory_space<hbm>> -> memref<512xf32, #tpu.memory_space<hbm>>
      %dma_start3A_89 = tpu.memref_slice %arg2[%select_n3A, %min3A, %mul3A_87] : memref<4x4096x2048xf32, #tpu.memory_space<hbm>> -> memref<1x1x512xf32, #tpu.memory_space<hbm>>
      %dma_start3A_90 = tpu.memref_squeeze %dma_start3A_89 : memref<1x1x512xf32, #tpu.memory_space<hbm>> -> memref<512xf32, #tpu.memory_space<hbm>>
      tpu.enqueue_dma source(%dma_start3A_90 : memref<512xf32, #tpu.memory_space<hbm>>) target(%dma_start3A_88 : memref<512xf32, #tpu.memory_space<hbm>>) target_semaphore(%run_scoped3A : memref<!tpu.dma_semaphore, #tpu.memory_space<semaphore_mem>>)
      %dma_wait3A = tpu.memref_slice %arg4[%select_n3A, %mul3A_87] : memref<4x2048xf32, #tpu.memory_space<hbm>> -> memref<1x512xf32, #tpu.memory_space<hbm>>
      %dma_wait3A_91 = tpu.memref_squeeze %dma_wait3A : memref<1x512xf32, #tpu.memory_space<hbm>> -> memref<512xf32, #tpu.memory_space<hbm>>
      %dma_wait3A_92 = tpu.memref_slice %arg2[%select_n3A, %min3A, %mul3A_87] : memref<4x4096x2048xf32, #tpu.memory_space<hbm>> -> memref<1x1x512xf32, #tpu.memory_space<hbm>>
      %dma_wait3A_93 = tpu.memref_squeeze %dma_wait3A_92 : memref<1x1x512xf32, #tpu.memory_space<hbm>> -> memref<512xf32, #tpu.memory_space<hbm>>
      tpu.wait_dma2 semaphore(%run_scoped3A : memref<!tpu.dma_semaphore, #tpu.memory_space<semaphore_mem>>) src(%dma_wait3A_93 : memref<512xf32, #tpu.memory_space<hbm>>) dst(%dma_wait3A_91 : memref<512xf32, #tpu.memory_space<hbm>>)
      tpu.yield
    }) : () -> ()
    return
  }
}

</mosaic_0001>

<sc_bundles>
// kernel: kernel.3.cloned.1.call-start
scs
__scs_entry_jumppad:
0x0: {  	(pc) =	sbr.rel $0x88, $3  }
0x1: {  	(tag) =	ssettag $0x0;
	lr =	simm.s32 $0x1  }
0x2: {  	[smem:$0x3F9F] =	sst lr;
	_ =	strace $0xD0000000  }
0x3: {  	_ = 	snop  }
0x4: {  	_ = 	snop  }
0x5: {  	_ = 	snop  }
0x6: {  	_ = 	snop  }
0x7: {  	_ = 	snop  }
__scs_overlays_trampoline_lowered:
0x8: {  	[smem:$0x3FAE] =	sst s0  }
0x9: {  	[smem:$0x3FAF] =	sst s1  }
0xa: {  	[smem:$0x3FB0] =	sst s2  }
0xb: {  	[smem:$0x3FB1] =	sst s3  }
0xc: {  	[smem:$0x3FB2] =	sst s4  }
0xd: {  	[smem:$0x3FB3] =	sst s5  }
0xe: {  	[smem:$0x3FB4] =	sst s6  }
0xf: {  	[smem:$0x3FB5] =	sst s7  }
0x10: {  	[smem:$0x3FB6] =	sst s8  }
0x11: {  	[smem:$0x3FB7] =	sst s9;
	s0 =	simm.s32 @!p0 $0x0  }
0x12: {  	s1 =	sld [smem:$0x3F9D];
	s0 =	simm.s32 @p0 $0x1  }
0x13: {  	[smem:$0x3FB8] =	sst s0;
	s0 =	simm.s32 @!p1 $0x0  }
0x14: {  	s2 =	sld [smem:$0x3F9C];
	s0 =	simm.s32 @p1 $0x1  }
0x15: {  	[smem:$0x3FB9] =	sst s0;
	s0 =	simm.s32 @!p2 $0x0  }
0x16: {  	s3 =	sld [smem:$0x3FDB];
	s0 =	simm.s32 @p2 $0x1  }
0x17: {  	s4 =	simm.s32 $0x1BF5;
	[smem:$0x3FBB] =	sst s0  }
0x18: {  	s0 =	sld [smem:$0x3F9E];
	_ =	swait.ge [sflag:s4], $0x0  }
0x19: {  	s7 =	sld [smem:$0x3F9F]  }
0x1a: {  	s8 =	sadd.s32 $0xFFFFE003, lr  }
0x1b: {  	s9 =	sadd.s32 $0xFFFFFEF7, lr;
	s5 =	simm.s32 $0xFFFFFFFF;
	p2 =	slt.u32 s8, $0xFFFFF086  }
0x1c: {  	p1 =	slt.u32 s9, $0xF7A;
	s5 =	simm.s32 @!p2 $0x0  }
0x1d: {  	s5 =	simm.s32 @p1 $0x1;
	p0 =	seq.s32 s7, s2  }
0x1e: {  	s7 =	smul.u32 @!p0 $0xF7A, s2;
	p2 =	seq.s32 @!p0 s5, $0x0  }
0x1f: {  	s9 =	smul.u32 $0xF7A, s1;
	s8 =	simm.s32 @!p0 $0x1BF5;
	p2 =	por !p2, p0  }
0x20: {  	[sflag:s8] =	ssyncset.s32 @!p0 $0xFFFFF086;
	s6 =	sadd.s32 @!p0 s3, s7;
	s7 =	simm.s32 @!p0 $0x108  }
0x21: {  	s3 =	sadd.s32 s3, s9;
	s6 =	sadd.s32 @!p0 $0x88, s6;
	s7 =	simm.s32 @p2 $0x1082  }
0x22: {  	[simem:s7], [sflag:s8] =	dma.local @!p0 [hbm:s6], $0xF7A  }
0x23: {  	s9 =	sor.u32 $0xD0000000, s2;
	s6 =	simm.s32 $0x108;
	_ =	swait.ge @!p0 [sflag:s8], $0x0  }
0x24: {  	s3 =	sadd.s32 $0x88, s3;
	s6 =	simm.s32 @!p1 $0x1082;
	[sflag:s4] =	ssyncset.s32 $0xFFFFF086  }
0x25: {  	[simem:s6], [sflag:s4] =	dma.local [hbm:s3], $0xF7A  }
0x26: {  	[smem:$0x3F9F] =	sst s1;
	(tag) =	ssettag s2;
	_ =	strace s9  }
0x27: {  	s1 =	sld [smem:$0x3FAF]  }
0x28: {  	s2 =	sld [smem:$0x3FB0]  }
0x29: {  	s4 =	sld [smem:$0x3FB2]  }
0x2a: {  	p0 =	seq.s32 s5, $0x0;
	s5 =	sld [smem:$0x3FB3]  }
0x2b: {  	s6 =	sld [smem:$0x3FB4]  }
0x2c: {  	s7 =	sld [smem:$0x3FB5]  }
0x2d: {  	s3 =	simm.s32 $0x108;
	s8 =	sld [smem:$0x3FB6]  }
0x2e: {  	s3 =	simm.s32 @!p0 $0x1082;
	s9 =	sld [smem:$0x3FB7]  }
0x2f: {  	lr =	sadd.s32 s0, s3;
	s0 =	sld [smem:$0x3FAE]  }
0x30: {  	s3 =	sld [smem:$0x3FB1]  }
0x31: {  	[smem:$0x3FBA] =	sst s10  }
0x32: {  	s10 =	sld [smem:$0x3FB8];
	_ =	sdelay $0x3  }
0x33: {  	p0 =	seq.s32 s10, $0x1;
	s10 =	sld [smem:$0x3FBA];
	_ =	sdelay $0x3  }
0x34: {  	[smem:$0x3FBA] =	sst s10  }
0x35: {  	s10 =	sld [smem:$0x3FB9];
	_ =	sdelay $0x3  }
0x36: {  	p1 =	seq.s32 s10, $0x1;
	s10 =	sld [smem:$0x3FBA];
	_ =	sdelay $0x3  }
0x37: {  	[smem:$0x3FBA] =	sst s10  }
0x38: {  	s10 =	sld [smem:$0x3FBB]  }
0x39: {  	_ = 	snop;
	(pc) =	sbr.ind lr, $3  }
0x3a: {  	_ = 	snop  }
0x3b: {  	_ = 	snop  }
0x3c: {  	p2 =	seq.s32 s10, $0x1;
	s10 =	sld [smem:$0x3FBA]  }
0x3d: {  	_ =	shalt  }
0x3e: {  	_ =	shalt  }
0x3f: {  	_ =	shalt  }
0x40: {  	_ =	shalt  }
0x41: {  	_ =	shalt  }
0x42: {  	_ =	shalt  }
0x43: {  	_ =	shalt  }
0x44: {  	_ =	shalt  }
0x45: {  	_ =	shalt  }
0x46: {  	_ =	shalt  }
0x47: {  	_ =	shalt  }
0x48: {  	_ =	shalt  }
0x49: {  	_ =	shalt  }
0x4a: {  	_ =	shalt  }
0x4b: {  	_ =	shalt  }
0x4c: {  	_ =	shalt  }
0x4d: {  	_ =	shalt  }
0x4e: {  	_ =	shalt  }
0x4f: {  	_ =	shalt  }
0x50: {  	_ =	shalt  }
0x51: {  	_ =	shalt  }
0x52: {  	_ =	shalt  }
0x53: {  	_ =	shalt  }
0x54: {  	_ =	shalt  }
0x55: {  	_ =	shalt  }
0x56: {  	_ =	shalt  }
0x57: {  	_ =	shalt  }
0x58: {  	_ =	shalt  }
0x59: {  	_ =	shalt  }
0x5a: {  	_ =	shalt  }
0x5b: {  	_ =	shalt  }
0x5c: {  	_ =	shalt  }
0x5d: {  	_ =	shalt  }
0x5e: {  	_ =	shalt  }
0x5f: {  	_ =	shalt  }
0x60: {  	_ =	shalt  }
0x61: {  	_ =	shalt  }
0x62: {  	_ =	shalt  }
0x63: {  	_ =	shalt  }
0x64: {  	_ =	shalt  }
0x65: {  	_ =	shalt  }
0x66: {  	_ =	shalt  }
0x67: {  	_ =	shalt  }
0x68: {  	_ =	shalt  }
0x69: {  	_ =	shalt  }
0x6a: {  	_ =	shalt  }
0x6b: {  	_ =	shalt  }
0x6c: {  	_ =	shalt  }
0x6d: {  	_ =	shalt  }
0x6e: {  	_ =	shalt  }
0x6f: {  	_ =	shalt  }
0x70: {  	_ =	shalt  }
0x71: {  	_ =	shalt  }
0x72: {  	_ =	shalt  }
0x73: {  	_ =	shalt  }
0x74: {  	_ =	shalt  }
0x75: {  	_ =	shalt  }
0x76: {  	_ =	shalt  }
0x77: {  	_ =	shalt  }
0x78: {  	_ =	shalt  }
0x79: {  	_ =	shalt  }
0x7a: {  	_ =	shalt  }
0x7b: {  	_ =	shalt  }
0x7c: {  	_ =	shalt  }
0x7d: {  	_ =	shalt  }
0x7e: {  	_ =	shalt  }
0x7f: {  	_ =	shalt  }
0x80: {  	_ =	shalt  }
0x81: {  	_ =	shalt  }
0x82: {  	_ =	shalt  }
0x83: {  	_ =	shalt  }
0x84: {  	_ =	shalt  }
0x85: {  	_ =	shalt  }
0x86: {  	_ =	shalt  }
0x87: {  	_ =	shalt  }
.Lfunc_end0:
.L_simem_size_0:
called_computation_lowered:
.L_overlay_start_0:
0x88: {  	s0 =	sld [smem:$0x3FD9]  }
0x89: {  	s1 =	sld [smem:$0x3FFE];
	_ =	sdelay $0x3  }
0x8a: {  	s0 =	sadd.s32 s1, s0  }
0x8b: {  	[smem:$0x3FC6] =	sst s0  }
0x8c: {  	_ = 	snop  }
0x8d: {  	s0 =	sld [smem:$0x3FC9]  }
0x8e: {  	s17 =	sld [smem:$0x3FC8]  }
0x8f: {  	s2 =	sld [smem:$0x3FD0];
	(tm) =	ssettm $0x1  }
0x90: {  	s3 =	sld [smem:$0x3FFB];
	_ =	sdelay $0x3  }
0x91: {  	_ =	strace s3  }
0x92: {  	s3 =	sld [smem:$0x3FFC];
	_ =	sdelay $0x3  }
0x93: {  	_ =	strace s3  }
0x94: {  	s3 =	sld [smem:$0x3FFD];
	_ =	sdelay $0x3  }
0x95: {  	_ =	strace s3  }
0x96: {  	_ =	strace $0x8FFFFFFF  }
0x97: {  	s18 =	sld [smem:$0x3FDB];
	_ =	sdelay $0x1  }
0x98: {  	s4 =	simm.s32 $_scs_section_size  }
0x99: {  	s5 =	simm.s32 $_size__tile_overlayer_lowered;
	s6 =	simm.s32 $_tile_overlayer_lowered  }
0x9a: {  	s21 =	simm.s32 $0x1BFF;
	s20 =	sshll.u32 s6, $0x1;
	s3 =	sadd.s32 s4, s18  }
0x9b: {  	s7 =	simm.s32 $0x0;
	s19 =	sshll.u32 s5, $0x1;
	s5 =	sadd.s32 s20, s3  }
0x9c: {  	[timem:s7], [sflag:s21] =	dma.local [hbm:s5], s19  }
0x9d: {  	_ =	swait.ge [sflag:s21], s19  }
0x9e: {  	s4 =	ssub.s32 $0x0, s19;
	[sflag:s21] =	ssyncset.done $0x0  }
0x9f: {  	[sflag:s21] =	ssyncadd.s32 s4;
	_ =	sdelay $0x1  }
0xa0: {  	s22 =	simm.s32 $0x1B8B  }
0xa1: {  	_ =	swait.ge [sflag:s22], $0x1  }
0xa2: {  	[sflag:s22] =	ssyncset.done $0x0  }
0xa3: {  	s23 =	simm.s32 $0x1B8E;
	[sflag:s22] =	ssyncadd.s32 $0xFFFFFFFF  }
0xa4: {  	s24 =	simm.s32 $execute0_lowered;
	[smem:$0x3FD2] =	sst s23  }
0xa5: {  	s4 =	sshll.u32 s24, $0x1;
	_ =	strace $0x80000046;
	[dreg:$0x1] =	wrdreg $0xFFFFFFFF  }
0xa6: {  	s25 =	simm.s32 $_size_execute0_lowered;
	s3 =	sadd.s32 s3, s4;
	[dreg:$0x0] =	wrdreg $0x0  }
0xa7: {  	s4 =	sshll.u32 s25, $0x1;
	[dreg:$0x2] =	wrdreg s3  }
0xa8: {  	[dreg:$0x3] =	wrdreg s4  }
0xa9: {  	[dreg:$0x4] =	wrdreg $0xC0  }
0xaa: {  	_ =	task [dreg:s7], $0x5FFFF  }
0xab: {  	[dreg:$0x1] =	wrdreg $0xFFFFFFFF  }
0xac: {  	[dreg:$0x0] =	wrdreg $0x60  }
0xad: {  	[dreg:$0x2] =	wrdreg s0  }
0xae: {  	[dreg:$0x3] =	wrdreg s17  }
0xaf: {  	[dreg:$0x4] =	wrdreg s2  }
0xb0: {  	[dreg:$0x5] =	wrdreg $0x9  }
0xb1: {  	_ =	task.clear_ibuf [dreg:s7], $0x6FFFF;
	_ =	strace $0x90000046  }
0xb2: {  	s26 =	simm.s32 $0x9;
	_ =	strace $0x80000048  }
0xb3: {  	_ =	swait.ge [sflag:s26], $0x1  }
0xb4: {  	[sflag:s26] =	ssyncadd.s32 $0xFFFFFFFF  }
0xb5: {  	_ =	strace $0x90000048  }
0xb6: {  	_ =	sfence  }
0xb7: {  	s28 =	sld [smem:$0x0];
	_ =	sdelay $0x1  }
0xb8: {  	s29 =	srdreg.scid  }
0xb9: {  	s30 =	sshll.u32 s29, $0xD;
	s31 =	sshrl.u32 s29, $0x2  }
0xba: {  	s1 =	sand.u32 $0x1, s29;
	s2 =	sand.u32 $0x4000, s30;
	s0 =	sadd.s32 s31, s28  }
0xbb: {  	s1 =	sor.u32 s2, s1;
	s0 =	sshll.u32 s0, $0x11  }
0xbc: {  	s0 =	sor.u32 s0, s1  }
0xbd: {  	s0 =	sadd.s32 $0x8F2B, s0  }
0xbe: {  	[sflag:s0] =	ssyncadd.remote.s32 $0x1  }
0xbf: {  	_ =	sfence.sel $0xFFFF  }
0xc0: {  	[dreg:$0x0] =	wrdreg $0xFFFFFFFF;
	(pc) =	sbr.abs _section_cstart, $3  }
0xc1: {  	[dreg:$0x1] =	wrdreg $0xFFFFFFFF  }
0xc2: {  	_ =	task.clear_ibuf [dreg:s7], $0x2FFFF;
	_ =	strace $0x9FFFFFFF  }
0xc3: {  	(tm) =	ssettm $0x7FFFFFFF  }
tec
execute0_lowered:
.L_overlay_start_1:
0x0: {  	(tag) =	ssettag $0x1  }
0x1: {  	s2 =	rddreg [dreg:$0x0]  }
0x2: {  	s6 =	rddreg [dreg:$0x1]  }
0x3: {  	s3 =	rddreg [dreg:$0x2]  }
0x4: {  	s0 =	rddreg [dreg:$0x3];
	s1 =	stileid.u32  }
0x5: {  	s7 =	simm.s32 $0x0;
	s8 =	simm.s32 $0x80;
	s4 =	sshrl.u32 s1, $0x2  }
0x6: {  	s9 =	simm.s32 $0x200;
	[smem:$0x7FF] =	sst s7;
	s5 =	sshll.u32 s4, $0x4  }
0x7: {  	s30 =	simm.s32 $0x1;
	_ =	strace $0x80000047;
	s6 =	sadd.s32 s6, s5  }
0x8: {  	[tilespmem:s7], [sflag:$0x1] =	stream.strided.gather [hbm4b:s6+s8], $0x1000, s9, s8, $0x38;
	[tilespmem:$0x1000] =	vst v63  }
0x9: {  	_ =	swait.ge [sflag:s30], $0x1000  }
0xa: {  	[sflag:s30] =	ssyncset.done $0x0  }
0xb: {  	s31 =	simm.s32 $0x40;
	[sflag:s30] =	ssyncadd.s32 $0xFFFFF000  }
0xc: {  	v2 =	vld [tilespmem:s31+$0xFFFFFFC0]  }
0xd: {  	v3 =	vld [tilespmem:s31+$0xFFFFFFD0]  }
0xe: {  	v4 =	vld [tilespmem:s31+$0xFFFFFFE0]  }
0xf: {  	v0 =	vld [tilespmem:s31+$0xFFFFFFF0]  }
0x10: {  	v5 =	vimm.s32 $0x0;
	v1 =	vld [tilespmem:s31+$0x0]  }
0x11: {  	v5 =	vadd.s32 v5, v2;
	v2 =	vld [tilespmem:s31+$0x10]  }
0x12: {  	v5 =	vadd.s32 v3, v5;
	v3 =	vld [tilespmem:s31+$0x20]  }
0x13: {  	s6 =	simm.s32 $0x0;
	s7 =	simm.s32 $0xC0;
	v5 =	vadd.s32 v4, v5;
	v4 =	vld [tilespmem:s31+$0x30]  }
.LBB2_1:
0x14: {  	v6 =	vld [tilespmem:s7+$0xFFFFFFC0];
	s6 =	sadd.s32 $0x8, s6;
	v0 =	vadd.s32 v0, v5  }
0x15: {  	v5 =	vld [tilespmem:s7+$0xFFFFFFD0];
	p0 =	slt.u32 s6, $0xF8;
	v0 =	vadd.s32 v1, v0  }
0x16: {  	v7 =	vld [tilespmem:s7+$0xFFFFFFE0];
	v1 =	vadd.s32 v2, v0  }
.Ltmp0:
0x17: {  	v0 =	vld [tilespmem:s7+$0xFFFFFFF0];
	v2 =	vadd.s32 v3, v1;
	(pc) =	sbr.rel @p0 .LBB2_1-.Ltmp0, $4  }
0x18: {  	v1 =	vld [tilespmem:s7+$0x0];
	v2 =	vadd.s32 v4, v2  }
0x19: {  	v3 =	vadd.s32 v2, v6;
	v2 =	vld [tilespmem:s7+$0x10]  }
0x1a: {  	v4 =	vadd.s32 v5, v3;
	v3 =	vld [tilespmem:s7+$0x20]  }
0x1b: {  	v5 =	vadd.s32 v7, v4;
	v4 =	vld [tilespmem:s7+$0x30];
	s7 =	sadd.s32 $0x80, s7  }
0x1c: {  	v0 =	vadd.s32 v0, v5  }
0x1d: {  	v0 =	vadd.s32 v1, v0  }
0x1e: {  	v0 =	vadd.s32 v2, v0  }
0x1f: {  	v0 =	vadd.s32 v3, v0  }
0x20: {  	v0 =	vadd.s32 v4, v0  }
0x21: {  	(v2sf) =	vpush v0, $0x0  }
0x22: {  	(v2sf) =	vpush v0, $0x1  }
0x23: {  	(v2sf) =	vpush v0, $0x2  }
0x24: {  	(v2sf) =	vpush v0, $0x3  }
0x25: {  	(v2sf) =	vpush v0, $0x4  }
0x26: {  	(v2sf) =	vpush v0, $0x5  }
0x27: {  	(v2sf) =	vpush v0, $0x6  }
0x28: {  	(v2sf) =	vpush v0, $0x7  }
0x29: {  	(v2sf) =	vpush v0, $0x8  }
0x2a: {  	(v2sf) =	vpush v0, $0x9  }
0x2b: {  	(v2sf) =	vpush v0, $0xA  }
0x2c: {  	(v2sf) =	vpush v0, $0xB  }
0x2d: {  	(v2sf) =	vpush v0, $0xC  }
0x2e: {  	(v2sf) =	vpush v0, $0xD  }
0x2f: {  	(v2sf) =	vpush v0, $0xE  }
0x30: {  	s6 =	spop (v2sf);
	(v2sf) =	vpush v0, $0xF  }
0x31: {  	s7 =	spop (v2sf)  }
0x32: {  	s8 =	spop (v2sf);
	s6 =	sadd.s32 s6, s7  }
0x33: {  	s9 =	spop (v2sf);
	s6 =	sadd.s32 s8, s6  }
0x34: {  	s10 =	spop (v2sf);
	s6 =	sadd.s32 s9, s6  }
0x35: {  	s11 =	spop (v2sf);
	s6 =	sadd.s32 s10, s6  }
0x36: {  	s12 =	spop (v2sf);
	s6 =	sadd.s32 s11, s6  }
0x37: {  	s13 =	spop (v2sf);
	s6 =	sadd.s32 s12, s6  }
0x38: {  	s14 =	spop (v2sf);
	s6 =	sadd.s32 s13, s6  }
0x39: {  	s15 =	spop (v2sf);
	s6 =	sadd.s32 s14, s6  }
0x3a: {  	s16 =	spop (v2sf);
	s6 =	sadd.s32 s15, s6  }
0x3b: {  	s17 =	spop (v2sf);
	s6 =	sadd.s32 s16, s6  }
0x3c: {  	s18 =	spop (v2sf);
	s6 =	sadd.s32 s17, s6  }
0x3d: {  	s19 =	spop (v2sf);
	s6 =	sadd.s32 s18, s6  }
0x3e: {  	s20 =	spop (v2sf);
	s6 =	sadd.s32 s19, s6  }
0x3f: {  	s21 =	spop (v2sf);
	s6 =	sadd.s32 s20, s6  }
0x40: {  	s6 =	sadd.s32 s21, s6  }
0x41: {  	s22 =	sand.u32 $0x3, s1;
	s6 =	sadd.s32 $0xFFFFFFFF, s6  }
0x42: {  	s3 =	sadd.s32 s3, s5;
	s4 =	sshll.u32 s4, $0x14;
	p0 =	sgt.s32 s6, $0x0  }
0x43: {  	s28 =	sshll.u32 s1, $0x6;
	s29 =	simm.s32 $0x1;
	s6 =	simm.s32 @!p0 $0x0  }
0x44: {  	s30 =	simm.s32 $0x40;
	s31 =	simm.s32 $0x80;
	s24 =	smin.u32 s6, $0xFFF  }
0x45: {  	s25 =	sshll.u32 s22, $0x9;
	s2 =	sadd.s32 s2, s4;
	s26 =	sshll.u32 s24, $0x8  }
0x46: {  	s2 =	sadd.s32 s25, s2;
	s5 =	sshll.u32 s24, $0x4;
	s4 =	sand.u32 $0xFF800, s26  }
0x47: {  	s23 =	sshll.u32 s22, $0x8;
	s5 =	sand.u32 $0x70, s5;
	s2 =	sadd.s32 s4, s2  }
0x48: {  	s3 =	sadd.s32 s23, s3;
	s4 =	sor.u32 $0x1C01, s28;
	s2 =	sadd.s32 s5, s2  }
0x49: {  	[hbm:s3@s30], [sflag:s4] =	dma.strided [hbm:s2@s31], $0x40, s29, $0x10   }
0x4a: {  	_ =	swait.ge [sflag:s29], $0x40  }
0x4b: {  	[sflag:s29] =	ssyncset.done $0x0  }
0x4c: {  	[sflag:s29] =	ssyncadd.s32 $0xFFFFFFC0  }
0x4d: {  	_ =	sfence.sel $0x180000  }
0x4e: {  	[bflag:$0x0] =	sbarrier.arrive $0xFFFF  }
0x4f: {  	p0 =	sne.s32 s1, $0x0;
	_ =	strace $0x90000047  }
0x50: {  	s0 =	sadd.s32 @!p0 $0x100000, s0;
	[bflag:$0x2] =	sbarrier.arrive $0xFFFF  }
0x51: {  	[sflag:s0] =	ssyncadd.tile.s32 @!p0 $0x1;
	_ =	shalt  }
.Lfunc_end2:
_tile_overlayer_lowered:
.L_overlay_start_2:
0x52: {  	(tag) =	ssettag $0x2  }
0x53: {  	s0 =	rddreg [dreg:$0x0];
	s2 =	stileid.u32  }
0x54: {  	s1 =	rddreg [dreg:$0x1];
	p0 =	sne.s32 s2, $0x0  }
0x55: {  	s3 =	rddreg [dreg:$0x2];
	[bflag:$0x3] =	sbarrier.arrive $0xFFFF;
	s2 =	simm.s32 @!p0 $0x1C01  }
0x56: {  	[timem:s3], [sflag:s2] =	dma.local @!p0 [hbm:s0], s1  }
0x57: {  	s0 =	simm.s32 @!p0 $0x1  }
0x58: {  	_ =	swait.ge @!p0 [sflag:s0], s1  }
0x59: {  	s1 =	ssub.s32 @!p0 $0x0, s1;
	[sflag:s0] =	ssyncset.done @!p0 $0x0  }
0x5a: {  	[sflag:s0] =	ssyncadd.s32 @!p0 s1  }
0x5b: {  	[bflag:$0x3] =	sbarrier.arrive $0xFFFF  }
0x5c: {  	_ =	shalt  }

</sc_bundles>
